<compile_context>
chip_gen: v7x
topology: tpu7x:2x2x1
jax: 0.10.2.dev20260603
libtpu: 0.0.44.dev20260713+nightly
codegen_flags: <defaults>
</compile_context>

<pallas_src>
import functools

import jax
import jax.numpy as jnp
from jax import lax
from jax.experimental import pallas as pl
from jax.experimental.pallas import tpu as pltpu
from jax.experimental.pallas import tpu_sc as plsc

_LANES = 16


def _sc_counts(idx2d, n_rows):
    num_offsets, k = idx2d.shape
    assert k % _LANES == 0
    mesh = plsc.VectorSubcoreMesh(core_axis_name="c", subcore_axis_name="s")

    @functools.partial(
        pl.kernel,
        out_type=jax.ShapeDtypeStruct((num_offsets, n_rows), jnp.float32),
        mesh=mesh,
        scratch_types=[
            pltpu.VMEM((k,), jnp.int32),
            pltpu.VMEM((n_rows,), jnp.float32),
            pltpu.SemaphoreType.DMA,
        ],
        compiler_params=pltpu.CompilerParams(needs_layout_passes=False),
    )
    def counts_kernel(idx_hbm, counts_hbm, idx_v, acc_v, sem):
        wid = lax.axis_index("s") * 2 + lax.axis_index("c")

        @pl.when(wid < num_offsets)
        def _():
            copy = pltpu.async_copy(idx_hbm.at[wid], idx_v, sem)
            zv = jnp.zeros((_LANES,), jnp.float32)
            zunroll = 5
            assert n_rows % (_LANES * zunroll) == 0

            def zstep(i, carry):
                base = i * (_LANES * zunroll)
                for u in range(zunroll):
                    acc_v[pl.ds(base + u * _LANES, _LANES)] = zv
                return carry

            lax.fori_loop(0, n_rows // (_LANES * zunroll), zstep, 0)
            copy.wait()

            ones = jnp.full((_LANES,), 1.0, jnp.float32)
            unroll = 10
            assert k % (_LANES * unroll) == 0

            def step(i, carry):
                base = i * (_LANES * unroll)
                for u in range(unroll):
                    ii = idx_v[pl.ds(base + u * _LANES, _LANES)]
                    plsc.addupdate_scatter(acc_v, [ii], ones)
                return carry

            lax.fori_loop(0, k // (_LANES * unroll), step, 0)
            pltpu.sync_copy(acc_v, counts_hbm.at[wid])

    return counts_kernel(idx2d)


def _tc_body(num_offsets, x_ref, c_ref, w_ref, b_ref, o_ref):
    xt = x_ref[...].astype(jnp.bfloat16).T
    c = c_ref[...].astype(jnp.bfloat16)
    at = jnp.concatenate(
        [xt * c[o:o + 1, :] for o in range(num_offsets)], axis=0)
    yt = lax.dot_general(w_ref[...].astype(jnp.bfloat16), at,
                         (((0,), (0,)), ((), ())),
                         preferred_element_type=jnp.float32)
    o_ref[...] = jnp.maximum(yt.T + b_ref[...], 0.0)


def _tc_conv(inputs, counts, w_flat, bias, tile_n, num_offsets):
    n, c_in = inputs.shape
    rows_out = counts.shape[0]
    c_out = w_flat.shape[1]
    grid = ((n + tile_n - 1) // tile_n,)
    return pl.pallas_call(
        functools.partial(_tc_body, num_offsets),
        grid=grid,
        in_specs=[
            pl.BlockSpec((tile_n, c_in), lambda i: (i, 0)),
            pl.BlockSpec((rows_out, tile_n), lambda i: (0, i)),
            pl.BlockSpec((num_offsets * c_in, c_out), lambda i: (0, 0)),
            pl.BlockSpec((1, c_out), lambda i: (0, 0)),
        ],
        out_specs=pl.BlockSpec((tile_n, c_out), lambda i: (i, 0)),
        out_shape=jax.ShapeDtypeStruct((n, c_out), jnp.float32),
        compiler_params=pltpu.CompilerParams(
            dimension_semantics=("parallel",),
        ),
    )(inputs, counts, w_flat, bias)


def kernel(inputs, voxel_idx, weight_idx_to_input_idxs, kernel, bias):
    n, c_in = inputs.shape
    num_offsets, k, _ = weight_idx_to_input_idxs.shape
    c_out = kernel.shape[-1]

    idx2d = weight_idx_to_input_idxs.reshape(num_offsets, k)
    counts = _sc_counts(idx2d, n)
    w_flat = kernel.reshape(num_offsets * c_in, c_out)
    return _tc_conv(inputs, counts, w_flat, bias, tile_n=4096,
                    num_offsets=num_offsets)

# --- scband reference (transcript-rebuilt; emitter-appended) ---
"""Pipeline reference for scband-sparse-conv3-d-20194936226218 (READ-ONLY COPY).

The authoritative reference and input builder live on the scoring server;
editing this copy changes nothing except your own understanding.
"""

import jax, jax.numpy as jnp
import numpy as np

N = 50000
C_IN = 128
C_OUT = 128
K = 20000
NUM_OFFSETS = 27


def setup_inputs(seed: int = 0) -> dict:
    key = jax.random.key(seed)
    k1, k2, k3, k4, k5 = jax.random.split(key, 5)
    inputs = jax.random.normal(k1, (N, C_IN), dtype=jnp.float32)
    voxel_idx = jax.random.randint(k2, (N, 3), 0, 400, dtype=jnp.int32)
    weight_idx_to_input_idxs = jax.random.randint(k3, (NUM_OFFSETS, K, 1), 0, N, dtype=jnp.int32)
    # learned parameters per build(): kernel [3,3,3,C_in,num_outputs], bias [1,num_outputs]
    kernel = jax.random.normal(k4, (3, 3, 3, C_IN, C_OUT), dtype=jnp.float32) * (1.0 / np.sqrt(C_IN))
    bias = jax.random.normal(k5, (1, C_OUT), dtype=jnp.float32) * 0.01
    return {
        "inputs": inputs,
        "voxel_idx": voxel_idx,
        "weight_idx_to_input_idxs": weight_idx_to_input_idxs,
        "kernel": kernel,
        "bias": bias,
    }


def reference(inputs, voxel_idx, weight_idx_to_input_idxs, kernel, bias):
    # Faithful translation of SparseConv3D.call with symm_opt=False:
    # sparse_conv3d loops over the 27 kernel offsets; for each offset it
    # gathers the active voxel features at valid_idx, multiplies by the
    # per-offset [C_in, C_out] weight slice, and scatter-adds the result
    # back at the same indices. Then bias + ReLU.
    c_out = kernel.shape[-1]
    w = kernel.reshape(NUM_OFFSETS, kernel.shape[3], c_out)  # weight_idx order matches (ox+1,oy+1,oz+1) raster order
    out = jnp.zeros((inputs.shape[0], c_out), dtype=inputs.dtype)
    for weight_idx in range(NUM_OFFSETS):
        valid_idx = weight_idx_to_input_idxs[weight_idx, :, 0]  # [K]
        input_features = jnp.take(inputs, valid_idx, axis=0)   # gather_nd
        output_features = input_features @ w[weight_idx]        # matmul with per-offset weight
        out = out.at[valid_idx].add(output_features)            # tensor_scatter_nd_add
    out = out + bias
    return jax.nn.relu(out)

if __name__ == "__main__":
    import jax
    _d = setup_inputs()
    print(jax.jit(kernel)(*tuple(_d.values())))

</pallas_src>

<mosaic_0001>
#map = affine_map<(d0, d1) -> (0, 0)>
module attributes {stable_mosaic.version = 14 : i64} {
  func.func @counts_kernel(%arg0: i32, %arg1: i32, %arg2: memref<27x20000xi32, #tpu.memory_space<hbm>>, %arg3: memref<27x50000xf32, #tpu.memory_space<hbm>>, %arg4: memref<20000xi32, #tpu.memory_space<vmem>>, %arg5: memref<50000xf32, #tpu.memory_space<vmem>>, %arg6: memref<!tpu.dma_semaphore, #tpu.memory_space<semaphore_mem>>) attributes {dimension_semantics = [#tpu.dimension_semantics<core_parallel>, #tpu.dimension_semantics<subcore_parallel>], iteration_bounds = array<i64: 2, 16>, scalar_prefetch = 0 : i64, scratch_operands = 3 : i64, tpu.core_type = #tpu.core_type<sc_vector_subcore>, window_params = [{transform_indices = #map}, {transform_indices = #map}]} {
    %mul3A = arith.constant 2 : i32
    %mul3A_0 = arith.muli %arg1, %mul3A : i32
    %add3A = arith.addi %mul3A_0, %arg0 : i32
    %lt3A = arith.constant 27 : i32
    %lt3A_1 = arith.cmpi slt, %add3A, %lt3A : i32
    %convert_element_type3A = arith.extui %lt3A_1 : i1 to i32
    %cond3A = arith.constant 0 : i32
    %cond3A_2 = arith.cmpi ne, %convert_element_type3A, %cond3A : i32
    scf.if %cond3A_2 {
      %dma_start3A = arith.constant 0 : i32
      %dma_start3A_3 = tpu.memref_slice %arg2[%add3A, %dma_start3A] : memref<27x20000xi32, #tpu.memory_space<hbm>> -> memref<1x20000xi32, #tpu.memory_space<hbm>>
      %dma_start3A_4 = tpu.memref_squeeze %dma_start3A_3 : memref<1x20000xi32, #tpu.memory_space<hbm>> -> memref<20000xi32, #tpu.memory_space<hbm>>
      %dma_start3A_5 = arith.constant 0 : i32
      %dma_start3A_6 = tpu.memref_slice %arg2[%add3A, %dma_start3A_5] : memref<27x20000xi32, #tpu.memory_space<hbm>> -> memref<1x20000xi32, #tpu.memory_space<hbm>>
      %dma_start3A_7 = tpu.memref_squeeze %dma_start3A_6 : memref<1x20000xi32, #tpu.memory_space<hbm>> -> memref<20000xi32, #tpu.memory_space<hbm>>
      tpu.enqueue_dma source(%dma_start3A_7 : memref<20000xi32, #tpu.memory_space<hbm>>) target(%arg4 : memref<20000xi32, #tpu.memory_space<vmem>>) target_semaphore(%arg6 : memref<!tpu.dma_semaphore, #tpu.memory_space<semaphore_mem>>)
      %broadcast_in_dim3A = arith.constant 0.000000e+00 : f32
      %broadcast_in_dim3A_8 = vector.broadcast %broadcast_in_dim3A : f32 to vector<16xf32>
      %scan3A = arith.constant 0 : i32
      %scan3A_9 = arith.constant 0 : i32
      %scan3A_10 = arith.constant 625 : i32
      %scan3A_11 = arith.addi %scan3A_9, %scan3A_10 : i32
      %scan3A_12 = arith.constant 1 : i32
      scf.for %scan3A_27 = %scan3A_9 to %scan3A_11 step %scan3A_12  : i32 {
        %mul3A_28 = arith.constant 80 : i32
        %mul3A_29 = arith.muli %scan3A_27, %mul3A_28 : i32
        %add3A_30 = arith.constant 0 : i32
        %add3A_31 = arith.addi %mul3A_29, %add3A_30 : i32
        %swap3A = arith.index_cast %add3A_31 : i32 to index
        %swap3A_32 = tpu.vector_load %arg5[%swap3A] {strides = array<i32>} : memref<50000xf32, #tpu.memory_space<vmem>>, vector<16xf32>,
        tpu.vector_store %arg5[%swap3A], %broadcast_in_dim3A_8 {strides = array<i32>} : memref<50000xf32, #tpu.memory_space<vmem>>, vector<16xf32>,
        %add3A_33 = arith.constant 16 : i32
        %add3A_34 = arith.addi %mul3A_29, %add3A_33 : i32
        %swap3A_35 = arith.index_cast %add3A_34 : i32 to index
        %swap3A_36 = tpu.vector_load %arg5[%swap3A_35] {strides = array<i32>} : memref<50000xf32, #tpu.memory_space<vmem>>, vector<16xf32>,
        tpu.vector_store %arg5[%swap3A_35], %broadcast_in_dim3A_8 {strides = array<i32>} : memref<50000xf32, #tpu.memory_space<vmem>>, vector<16xf32>,
        %add3A_37 = arith.constant 32 : i32
        %add3A_38 = arith.addi %mul3A_29, %add3A_37 : i32
        %swap3A_39 = arith.index_cast %add3A_38 : i32 to index
        %swap3A_40 = tpu.vector_load %arg5[%swap3A_39] {strides = array<i32>} : memref<50000xf32, #tpu.memory_space<vmem>>, vector<16xf32>,
        tpu.vector_store %arg5[%swap3A_39], %broadcast_in_dim3A_8 {strides = array<i32>} : memref<50000xf32, #tpu.memory_space<vmem>>, vector<16xf32>,
        %add3A_41 = arith.constant 48 : i32
        %add3A_42 = arith.addi %mul3A_29, %add3A_41 : i32
        %swap3A_43 = arith.index_cast %add3A_42 : i32 to index
        %swap3A_44 = tpu.vector_load %arg5[%swap3A_43] {strides = array<i32>} : memref<50000xf32, #tpu.memory_space<vmem>>, vector<16xf32>,
        tpu.vector_store %arg5[%swap3A_43], %broadcast_in_dim3A_8 {strides = array<i32>} : memref<50000xf32, #tpu.memory_space<vmem>>, vector<16xf32>,
        %add3A_45 = arith.constant 64 : i32
        %add3A_46 = arith.addi %mul3A_29, %add3A_45 : i32
        %swap3A_47 = arith.index_cast %add3A_46 : i32 to index
        %swap3A_48 = tpu.vector_load %arg5[%swap3A_47] {strides = array<i32>} : memref<50000xf32, #tpu.memory_space<vmem>>, vector<16xf32>,
        tpu.vector_store %arg5[%swap3A_47], %broadcast_in_dim3A_8 {strides = array<i32>} : memref<50000xf32, #tpu.memory_space<vmem>>, vector<16xf32>,
      }
      %scan3A_13 = arith.constant 625 : i32
      %dma_wait3A = arith.constant 0 : i32
      %dma_wait3A_14 = tpu.memref_slice %arg2[%add3A, %dma_wait3A] : memref<27x20000xi32, #tpu.memory_space<hbm>> -> memref<1x20000xi32, #tpu.memory_space<hbm>>
      %dma_wait3A_15 = tpu.memref_squeeze %dma_wait3A_14 : memref<1x20000xi32, #tpu.memory_space<hbm>> -> memref<20000xi32, #tpu.memory_space<hbm>>
      %dma_wait3A_16 = arith.constant 0 : i32
      %dma_wait3A_17 = tpu.memref_slice %arg2[%add3A, %dma_wait3A_16] : memref<27x20000xi32, #tpu.memory_space<hbm>> -> memref<1x20000xi32, #tpu.memory_space<hbm>>
      %dma_wait3A_18 = tpu.memref_squeeze %dma_wait3A_17 : memref<1x20000xi32, #tpu.memory_space<hbm>> -> memref<20000xi32, #tpu.memory_space<hbm>>
      tpu.wait_dma2 semaphore(%arg6 : memref<!tpu.dma_semaphore, #tpu.memory_space<semaphore_mem>>) src(%dma_wait3A_18 : memref<20000xi32, #tpu.memory_space<hbm>>) dst(%arg4 : memref<20000xi32, #tpu.memory_space<vmem>>)
      %broadcast_in_dim3A_19 = arith.constant 1.000000e+00 : f32
      %broadcast_in_dim3A_20 = vector.broadcast %broadcast_in_dim3A_19 : f32 to vector<16xf32>
      %scan3A_21 = arith.constant 0 : i32
      %scan3A_22 = arith.constant 0 : i32
      %scan3A_23 = arith.constant 125 : i32
      %scan3A_24 = arith.addi %scan3A_22, %scan3A_23 : i32
      %scan3A_25 = arith.constant 1 : i32
      scf.for %scan3A_27 = %scan3A_22 to %scan3A_24 step %scan3A_25  : i32 {
        %mul3A_28 = arith.constant 160 : i32
        %mul3A_29 = arith.muli %scan3A_27, %mul3A_28 : i32
        %add3A_30 = arith.constant 0 : i32
        %add3A_31 = arith.addi %mul3A_29, %add3A_30 : i32
        %get3A = arith.index_cast %add3A_31 : i32 to index
        %get3A_32 = tpu.vector_load %arg4[%get3A] {strides = array<i32>} : memref<20000xi32, #tpu.memory_space<vmem>>, vector<16xi32>,
        tpu.vector_store_idx %arg5[%get3A_32], %broadcast_in_dim3A_20 {add = true} : memref<50000xf32, #tpu.memory_space<vmem>>[vector<16xi32>], vector<16xf32>,
        %add3A_33 = arith.constant 16 : i32
        %add3A_34 = arith.addi %mul3A_29, %add3A_33 : i32
        %get3A_35 = arith.index_cast %add3A_34 : i32 to index
        %get3A_36 = tpu.vector_load %arg4[%get3A_35] {strides = array<i32>} : memref<20000xi32, #tpu.memory_space<vmem>>, vector<16xi32>,
        tpu.vector_store_idx %arg5[%get3A_36], %broadcast_in_dim3A_20 {add = true} : memref<50000xf32, #tpu.memory_space<vmem>>[vector<16xi32>], vector<16xf32>,
        %add3A_37 = arith.constant 32 : i32
        %add3A_38 = arith.addi %mul3A_29, %add3A_37 : i32
        %get3A_39 = arith.index_cast %add3A_38 : i32 to index
        %get3A_40 = tpu.vector_load %arg4[%get3A_39] {strides = array<i32>} : memref<20000xi32, #tpu.memory_space<vmem>>, vector<16xi32>,
        tpu.vector_store_idx %arg5[%get3A_40], %broadcast_in_dim3A_20 {add = true} : memref<50000xf32, #tpu.memory_space<vmem>>[vector<16xi32>], vector<16xf32>,
        %add3A_41 = arith.constant 48 : i32
        %add3A_42 = arith.addi %mul3A_29, %add3A_41 : i32
        %get3A_43 = arith.index_cast %add3A_42 : i32 to index
        %get3A_44 = tpu.vector_load %arg4[%get3A_43] {strides = array<i32>} : memref<20000xi32, #tpu.memory_space<vmem>>, vector<16xi32>,
        tpu.vector_store_idx %arg5[%get3A_44], %broadcast_in_dim3A_20 {add = true} : memref<50000xf32, #tpu.memory_space<vmem>>[vector<16xi32>], vector<16xf32>,
        %add3A_45 = arith.constant 64 : i32
        %add3A_46 = arith.addi %mul3A_29, %add3A_45 : i32
        %get3A_47 = arith.index_cast %add3A_46 : i32 to index
        %get3A_48 = tpu.vector_load %arg4[%get3A_47] {strides = array<i32>} : memref<20000xi32, #tpu.memory_space<vmem>>, vector<16xi32>,
        tpu.vector_store_idx %arg5[%get3A_48], %broadcast_in_dim3A_20 {add = true} : memref<50000xf32, #tpu.memory_space<vmem>>[vector<16xi32>], vector<16xf32>,
        %add3A_49 = arith.constant 80 : i32
        %add3A_50 = arith.addi %mul3A_29, %add3A_49 : i32
        %get3A_51 = arith.index_cast %add3A_50 : i32 to index
        %get3A_52 = tpu.vector_load %arg4[%get3A_51] {strides = array<i32>} : memref<20000xi32, #tpu.memory_space<vmem>>, vector<16xi32>,
        tpu.vector_store_idx %arg5[%get3A_52], %broadcast_in_dim3A_20 {add = true} : memref<50000xf32, #tpu.memory_space<vmem>>[vector<16xi32>], vector<16xf32>,
        %add3A_53 = arith.constant 96 : i32
        %add3A_54 = arith.addi %mul3A_29, %add3A_53 : i32
        %get3A_55 = arith.index_cast %add3A_54 : i32 to index
        %get3A_56 = tpu.vector_load %arg4[%get3A_55] {strides = array<i32>} : memref<20000xi32, #tpu.memory_space<vmem>>, vector<16xi32>,
        tpu.vector_store_idx %arg5[%get3A_56], %broadcast_in_dim3A_20 {add = true} : memref<50000xf32, #tpu.memory_space<vmem>>[vector<16xi32>], vector<16xf32>,
        %add3A_57 = arith.constant 112 : i32
        %add3A_58 = arith.addi %mul3A_29, %add3A_57 : i32
        %get3A_59 = arith.index_cast %add3A_58 : i32 to index
        %get3A_60 = tpu.vector_load %arg4[%get3A_59] {strides = array<i32>} : memref<20000xi32, #tpu.memory_space<vmem>>, vector<16xi32>,
        tpu.vector_store_idx %arg5[%get3A_60], %broadcast_in_dim3A_20 {add = true} : memref<50000xf32, #tpu.memory_space<vmem>>[vector<16xi32>], vector<16xf32>,
        %add3A_61 = arith.constant 128 : i32
        %add3A_62 = arith.addi %mul3A_29, %add3A_61 : i32
        %get3A_63 = arith.index_cast %add3A_62 : i32 to index
        %get3A_64 = tpu.vector_load %arg4[%get3A_63] {strides = array<i32>} : memref<20000xi32, #tpu.memory_space<vmem>>, vector<16xi32>,
        tpu.vector_store_idx %arg5[%get3A_64], %broadcast_in_dim3A_20 {add = true} : memref<50000xf32, #tpu.memory_space<vmem>>[vector<16xi32>], vector<16xf32>,
        %add3A_65 = arith.constant 144 : i32
        %add3A_66 = arith.addi %mul3A_29, %add3A_65 : i32
        %get3A_67 = arith.index_cast %add3A_66 : i32 to index
        %get3A_68 = tpu.vector_load %arg4[%get3A_67] {strides = array<i32>} : memref<20000xi32, #tpu.memory_space<vmem>>, vector<16xi32>,
        tpu.vector_store_idx %arg5[%get3A_68], %broadcast_in_dim3A_20 {add = true} : memref<50000xf32, #tpu.memory_space<vmem>>[vector<16xi32>], vector<16xf32>,
      }
      %scan3A_26 = arith.constant 125 : i32
      "tpu.region"() ({
        %run_scoped3A = tpu.sem_alloc : memref<!tpu.dma_semaphore, #tpu.memory_space<semaphore_mem>>
        %dma_start3A_27 = arith.constant 0 : i32
        %dma_start3A_28 = tpu.memref_slice %arg3[%add3A, %dma_start3A_27] : memref<27x50000xf32, #tpu.memory_space<hbm>> -> memref<1x50000xf32, #tpu.memory_space<hbm>>
        %dma_start3A_29 = tpu.memref_squeeze %dma_start3A_28 : memref<1x50000xf32, #tpu.memory_space<hbm>> -> memref<50000xf32, #tpu.memory_space<hbm>>
        %dma_start3A_30 = arith.constant 0 : i32
        %dma_start3A_31 = tpu.memref_slice %arg3[%add3A, %dma_start3A_30] : memref<27x50000xf32, #tpu.memory_space<hbm>> -> memref<1x50000xf32, #tpu.memory_space<hbm>>
        %dma_start3A_32 = tpu.memref_squeeze %dma_start3A_31 : memref<1x50000xf32, #tpu.memory_space<hbm>> -> memref<50000xf32, #tpu.memory_space<hbm>>
        tpu.enqueue_dma source(%arg5 : memref<50000xf32, #tpu.memory_space<vmem>>) target(%dma_start3A_32 : memref<50000xf32, #tpu.memory_space<hbm>>) target_semaphore(%run_scoped3A : memref<!tpu.dma_semaphore, #tpu.memory_space<semaphore_mem>>)
        %dma_wait3A_33 = arith.constant 0 : i32
        %dma_wait3A_34 = tpu.memref_slice %arg3[%add3A, %dma_wait3A_33] : memref<27x50000xf32, #tpu.memory_space<hbm>> -> memref<1x50000xf32, #tpu.memory_space<hbm>>
        %dma_wait3A_35 = tpu.memref_squeeze %dma_wait3A_34 : memref<1x50000xf32, #tpu.memory_space<hbm>> -> memref<50000xf32, #tpu.memory_space<hbm>>
        %dma_wait3A_36 = arith.constant 0 : i32
        %dma_wait3A_37 = tpu.memref_slice %arg3[%add3A, %dma_wait3A_36] : memref<27x50000xf32, #tpu.memory_space<hbm>> -> memref<1x50000xf32, #tpu.memory_space<hbm>>
        %dma_wait3A_38 = tpu.memref_squeeze %dma_wait3A_37 : memref<1x50000xf32, #tpu.memory_space<hbm>> -> memref<50000xf32, #tpu.memory_space<hbm>>
        tpu.wait_dma2 semaphore(%run_scoped3A : memref<!tpu.dma_semaphore, #tpu.memory_space<semaphore_mem>>) src(%arg5 : memref<50000xf32, #tpu.memory_space<vmem>>) dst(%dma_wait3A_38 : memref<50000xf32, #tpu.memory_space<hbm>>)
        tpu.yield
      }) : () -> ()
    } else {
    }
    return
  }
}

module attributes {stable_mosaic.version = 14 : i64} {
  func.func @_tc_body(%arg0: i32, %arg1: memref<4096x128xf32, #tpu.memory_space<vmem>>, %arg2: memref<27x4096xf32, #tpu.memory_space<vmem>>, %arg3: memref<3456x128xf32, #tpu.memory_space<vmem>>, %arg4: memref<1x128xf32, #tpu.memory_space<vmem>>, %arg5: memref<4096x128xf32, #tpu.memory_space<vmem>>) attributes {dimension_semantics = [#tpu.dimension_semantics<parallel>], iteration_bounds = array<i64: 13>, scalar_prefetch = 0 : i64, scratch_operands = 0 : i64, tpu.core_type = #tpu.core_type<tc>, window_params = [{transform_indices = @transform_0, window_bounds = array<i64: 4096, 128>}, {transform_indices = @transform_1, window_bounds = array<i64: 27, 4096>}, {pipeline_mode = #tpu.pipeline_mode<synchronous>, transform_indices = @transform_2, window_bounds = array<i64: 3456, 128>}, {pipeline_mode = #tpu.pipeline_mode<synchronous>, transform_indices = @transform_3, window_bounds = array<i64: 1, 128>}, {transform_indices = @transform_4, window_bounds = array<i64: 4096, 128>}]} {
    %get3A = arith.constant 0 : index
    %get3A_0 = arith.constant 0 : index
    %get3A_1 = vector.load %arg1[%get3A, %get3A_0] : memref<4096x128xf32, #tpu.memory_space<vmem>>, vector<4096x128xf32>
    %convert_element_type3A = arith.truncf %get3A_1 : vector<4096x128xf32> to vector<4096x128xbf16>
    %transpose3A = tpu.transpose %convert_element_type3A, [1, 0] : vector<4096x128xbf16> -> vector<128x4096xbf16>
    %get3A_2 = arith.constant 0 : index
    %get3A_3 = arith.constant 0 : index
    %get3A_4 = vector.load %arg2[%get3A_2, %get3A_3] : memref<27x4096xf32, #tpu.memory_space<vmem>>, vector<27x4096xf32>
    %convert_element_type3A_5 = arith.truncf %get3A_4 : vector<27x4096xf32> to vector<27x4096xbf16>
    %slice3A = vector.extract_strided_slice %convert_element_type3A_5 {offsets = [0, 0], sizes = [1, 4096], strides = [1, 1]} : vector<27x4096xbf16> to vector<1x4096xbf16>
    %mul3A = vector.broadcast %slice3A : vector<1x4096xbf16> to vector<128x4096xbf16>
    %mul3A_6 = arith.mulf %transpose3A, %mul3A : vector<128x4096xbf16>
    %slice3A_7 = vector.extract_strided_slice %convert_element_type3A_5 {offsets = [1, 0], sizes = [1, 4096], strides = [1, 1]} : vector<27x4096xbf16> to vector<1x4096xbf16>
    %mul3A_8 = vector.broadcast %slice3A_7 : vector<1x4096xbf16> to vector<128x4096xbf16>
    %mul3A_9 = arith.mulf %transpose3A, %mul3A_8 : vector<128x4096xbf16>
    %slice3A_10 = vector.extract_strided_slice %convert_element_type3A_5 {offsets = [2, 0], sizes = [1, 4096], strides = [1, 1]} : vector<27x4096xbf16> to vector<1x4096xbf16>
    %mul3A_11 = vector.broadcast %slice3A_10 : vector<1x4096xbf16> to vector<128x4096xbf16>
    %mul3A_12 = arith.mulf %transpose3A, %mul3A_11 : vector<128x4096xbf16>
    %slice3A_13 = vector.extract_strided_slice %convert_element_type3A_5 {offsets = [3, 0], sizes = [1, 4096], strides = [1, 1]} : vector<27x4096xbf16> to vector<1x4096xbf16>
    %mul3A_14 = vector.broadcast %slice3A_13 : vector<1x4096xbf16> to vector<128x4096xbf16>
    %mul3A_15 = arith.mulf %transpose3A, %mul3A_14 : vector<128x4096xbf16>
    %slice3A_16 = vector.extract_strided_slice %convert_element_type3A_5 {offsets = [4, 0], sizes = [1, 4096], strides = [1, 1]} : vector<27x4096xbf16> to vector<1x4096xbf16>
    %mul3A_17 = vector.broadcast %slice3A_16 : vector<1x4096xbf16> to vector<128x4096xbf16>
    %mul3A_18 = arith.mulf %transpose3A, %mul3A_17 : vector<128x4096xbf16>
    %slice3A_19 = vector.extract_strided_slice %convert_element_type3A_5 {offsets = [5, 0], sizes = [1, 4096], strides = [1, 1]} : vector<27x4096xbf16> to vector<1x4096xbf16>
    %mul3A_20 = vector.broadcast %slice3A_19 : vector<1x4096xbf16> to vector<128x4096xbf16>
    %mul3A_21 = arith.mulf %transpose3A, %mul3A_20 : vector<128x4096xbf16>
    %slice3A_22 = vector.extract_strided_slice %convert_element_type3A_5 {offsets = [6, 0], sizes = [1, 4096], strides = [1, 1]} : vector<27x4096xbf16> to vector<1x4096xbf16>
    %mul3A_23 = vector.broadcast %slice3A_22 : vector<1x4096xbf16> to vector<128x4096xbf16>
    %mul3A_24 = arith.mulf %transpose3A, %mul3A_23 : vector<128x4096xbf16>
    %slice3A_25 = vector.extract_strided_slice %convert_element_type3A_5 {offsets = [7, 0], sizes = [1, 4096], strides = [1, 1]} : vector<27x4096xbf16> to vector<1x4096xbf16>
    %mul3A_26 = vector.broadcast %slice3A_25 : vector<1x4096xbf16> to vector<128x4096xbf16>
    %mul3A_27 = arith.mulf %transpose3A, %mul3A_26 : vector<128x4096xbf16>
    %slice3A_28 = vector.extract_strided_slice %convert_element_type3A_5 {offsets = [8, 0], sizes = [1, 4096], strides = [1, 1]} : vector<27x4096xbf16> to vector<1x4096xbf16>
    %mul3A_29 = vector.broadcast %slice3A_28 : vector<1x4096xbf16> to vector<128x4096xbf16>
    %mul3A_30 = arith.mulf %transpose3A, %mul3A_29 : vector<128x4096xbf16>
    %slice3A_31 = vector.extract_strided_slice %convert_element_type3A_5 {offsets = [9, 0], sizes = [1, 4096], strides = [1, 1]} : vector<27x4096xbf16> to vector<1x4096xbf16>
    %mul3A_32 = vector.broadcast %slice3A_31 : vector<1x4096xbf16> to vector<128x4096xbf16>
    %mul3A_33 = arith.mulf %transpose3A, %mul3A_32 : vector<128x4096xbf16>
    %slice3A_34 = vector.extract_strided_slice %convert_element_type3A_5 {offsets = [10, 0], sizes = [1, 4096], strides = [1, 1]} : vector<27x4096xbf16> to vector<1x4096xbf16>
    %mul3A_35 = vector.broadcast %slice3A_34 : vector<1x4096xbf16> to vector<128x4096xbf16>
    %mul3A_36 = arith.mulf %transpose3A, %mul3A_35 : vector<128x4096xbf16>
    %slice3A_37 = vector.extract_strided_slice %convert_element_type3A_5 {offsets = [11, 0], sizes = [1, 4096], strides = [1, 1]} : vector<27x4096xbf16> to vector<1x4096xbf16>
    %mul3A_38 = vector.broadcast %slice3A_37 : vector<1x4096xbf16> to vector<128x4096xbf16>
    %mul3A_39 = arith.mulf %transpose3A, %mul3A_38 : vector<128x4096xbf16>
    %slice3A_40 = vector.extract_strided_slice %convert_element_type3A_5 {offsets = [12, 0], sizes = [1, 4096], strides = [1, 1]} : vector<27x4096xbf16> to vector<1x4096xbf16>
    %mul3A_41 = vector.broadcast %slice3A_40 : vector<1x4096xbf16> to vector<128x4096xbf16>
    %mul3A_42 = arith.mulf %transpose3A, %mul3A_41 : vector<128x4096xbf16>
    %slice3A_43 = vector.extract_strided_slice %convert_element_type3A_5 {offsets = [13, 0], sizes = [1, 4096], strides = [1, 1]} : vector<27x4096xbf16> to vector<1x4096xbf16>
    %mul3A_44 = vector.broadcast %slice3A_43 : vector<1x4096xbf16> to vector<128x4096xbf16>
    %mul3A_45 = arith.mulf %transpose3A, %mul3A_44 : vector<128x4096xbf16>
    %slice3A_46 = vector.extract_strided_slice %convert_element_type3A_5 {offsets = [14, 0], sizes = [1, 4096], strides = [1, 1]} : vector<27x4096xbf16> to vector<1x4096xbf16>
    %mul3A_47 = vector.broadcast %slice3A_46 : vector<1x4096xbf16> to vector<128x4096xbf16>
    %mul3A_48 = arith.mulf %transpose3A, %mul3A_47 : vector<128x4096xbf16>
    %slice3A_49 = vector.extract_strided_slice %convert_element_type3A_5 {offsets = [15, 0], sizes = [1, 4096], strides = [1, 1]} : vector<27x4096xbf16> to vector<1x4096xbf16>
    %mul3A_50 = vector.broadcast %slice3A_49 : vector<1x4096xbf16> to vector<128x4096xbf16>
    %mul3A_51 = arith.mulf %transpose3A, %mul3A_50 : vector<128x4096xbf16>
    %slice3A_52 = vector.extract_strided_slice %convert_element_type3A_5 {offsets = [16, 0], sizes = [1, 4096], strides = [1, 1]} : vector<27x4096xbf16> to vector<1x4096xbf16>
    %mul3A_53 = vector.broadcast %slice3A_52 : vector<1x4096xbf16> to vector<128x4096xbf16>
    %mul3A_54 = arith.mulf %transpose3A, %mul3A_53 : vector<128x4096xbf16>
    %slice3A_55 = vector.extract_strided_slice %convert_element_type3A_5 {offsets = [17, 0], sizes = [1, 4096], strides = [1, 1]} : vector<27x4096xbf16> to vector<1x4096xbf16>
    %mul3A_56 = vector.broadcast %slice3A_55 : vector<1x4096xbf16> to vector<128x4096xbf16>
    %mul3A_57 = arith.mulf %transpose3A, %mul3A_56 : vector<128x4096xbf16>
    %slice3A_58 = vector.extract_strided_slice %convert_element_type3A_5 {offsets = [18, 0], sizes = [1, 4096], strides = [1, 1]} : vector<27x4096xbf16> to vector<1x4096xbf16>
    %mul3A_59 = vector.broadcast %slice3A_58 : vector<1x4096xbf16> to vector<128x4096xbf16>
    %mul3A_60 = arith.mulf %transpose3A, %mul3A_59 : vector<128x4096xbf16>
    %slice3A_61 = vector.extract_strided_slice %convert_element_type3A_5 {offsets = [19, 0], sizes = [1, 4096], strides = [1, 1]} : vector<27x4096xbf16> to vector<1x4096xbf16>
    %mul3A_62 = vector.broadcast %slice3A_61 : vector<1x4096xbf16> to vector<128x4096xbf16>
    %mul3A_63 = arith.mulf %transpose3A, %mul3A_62 : vector<128x4096xbf16>
    %slice3A_64 = vector.extract_strided_slice %convert_element_type3A_5 {offsets = [20, 0], sizes = [1, 4096], strides = [1, 1]} : vector<27x4096xbf16> to vector<1x4096xbf16>
    %mul3A_65 = vector.broadcast %slice3A_64 : vector<1x4096xbf16> to vector<128x4096xbf16>
    %mul3A_66 = arith.mulf %transpose3A, %mul3A_65 : vector<128x4096xbf16>
    %slice3A_67 = vector.extract_strided_slice %convert_element_type3A_5 {offsets = [21, 0], sizes = [1, 4096], strides = [1, 1]} : vector<27x4096xbf16> to vector<1x4096xbf16>
    %mul3A_68 = vector.broadcast %slice3A_67 : vector<1x4096xbf16> to vector<128x4096xbf16>
    %mul3A_69 = arith.mulf %transpose3A, %mul3A_68 : vector<128x4096xbf16>
    %slice3A_70 = vector.extract_strided_slice %convert_element_type3A_5 {offsets = [22, 0], sizes = [1, 4096], strides = [1, 1]} : vector<27x4096xbf16> to vector<1x4096xbf16>
    %mul3A_71 = vector.broadcast %slice3A_70 : vector<1x4096xbf16> to vector<128x4096xbf16>
    %mul3A_72 = arith.mulf %transpose3A, %mul3A_71 : vector<128x4096xbf16>
    %slice3A_73 = vector.extract_strided_slice %convert_element_type3A_5 {offsets = [23, 0], sizes = [1, 4096], strides = [1, 1]} : vector<27x4096xbf16> to vector<1x4096xbf16>
    %mul3A_74 = vector.broadcast %slice3A_73 : vector<1x4096xbf16> to vector<128x4096xbf16>
    %mul3A_75 = arith.mulf %transpose3A, %mul3A_74 : vector<128x4096xbf16>
    %slice3A_76 = vector.extract_strided_slice %convert_element_type3A_5 {offsets = [24, 0], sizes = [1, 4096], strides = [1, 1]} : vector<27x4096xbf16> to vector<1x4096xbf16>
    %mul3A_77 = vector.broadcast %slice3A_76 : vector<1x4096xbf16> to vector<128x4096xbf16>
    %mul3A_78 = arith.mulf %transpose3A, %mul3A_77 : vector<128x4096xbf16>
    %slice3A_79 = vector.extract_strided_slice %convert_element_type3A_5 {offsets = [25, 0], sizes = [1, 4096], strides = [1, 1]} : vector<27x4096xbf16> to vector<1x4096xbf16>
    %mul3A_80 = vector.broadcast %slice3A_79 : vector<1x4096xbf16> to vector<128x4096xbf16>
    %mul3A_81 = arith.mulf %transpose3A, %mul3A_80 : vector<128x4096xbf16>
    %slice3A_82 = vector.extract_strided_slice %convert_element_type3A_5 {offsets = [26, 0], sizes = [1, 4096], strides = [1, 1]} : vector<27x4096xbf16> to vector<1x4096xbf16>
    %mul3A_83 = vector.broadcast %slice3A_82 : vector<1x4096xbf16> to vector<128x4096xbf16>
    %mul3A_84 = arith.mulf %transpose3A, %mul3A_83 : vector<128x4096xbf16>
    %concatenate3A = tpu.concatenate %mul3A_6, %mul3A_9, %mul3A_12, %mul3A_15, %mul3A_18, %mul3A_21, %mul3A_24, %mul3A_27, %mul3A_30, %mul3A_33, %mul3A_36, %mul3A_39, %mul3A_42, %mul3A_45, %mul3A_48, %mul3A_51, %mul3A_54, %mul3A_57, %mul3A_60, %mul3A_63, %mul3A_66, %mul3A_69, %mul3A_72, %mul3A_75, %mul3A_78, %mul3A_81, %mul3A_84 in 0 : vector<128x4096xbf16>, vector<128x4096xbf16>, vector<128x4096xbf16>, vector<128x4096xbf16>, vector<128x4096xbf16>, vector<128x4096xbf16>, vector<128x4096xbf16>, vector<128x4096xbf16>, vector<128x4096xbf16>, vector<128x4096xbf16>, vector<128x4096xbf16>, vector<128x4096xbf16>, vector<128x4096xbf16>, vector<128x4096xbf16>, vector<128x4096xbf16>, vector<128x4096xbf16>, vector<128x4096xbf16>, vector<128x4096xbf16>, vector<128x4096xbf16>, vector<128x4096xbf16>, vector<128x4096xbf16>, vector<128x4096xbf16>, vector<128x4096xbf16>, vector<128x4096xbf16>, vector<128x4096xbf16>, vector<128x4096xbf16>, vector<128x4096xbf16> -> vector<3456x4096xbf16>
    %get3A_85 = arith.constant 0 : index
    %get3A_86 = arith.constant 0 : index
    %get3A_87 = vector.load %arg3[%get3A_85, %get3A_86] : memref<3456x128xf32, #tpu.memory_space<vmem>>, vector<3456x128xf32>
    %convert_element_type3A_88 = arith.truncf %get3A_87 : vector<3456x128xf32> to vector<3456x128xbf16>
    %dot_general3A = arith.constant dense<0.000000e+00> : vector<128x4096xf32>
    %dot_general3A_89 = tpu.matmul %convert_element_type3A_88, %concatenate3A, %dot_general3A {dimension_numbers = #tpu.dot_dimension_numbers<[0], [0], [1], [1], [0, 1, 1, 1], [], []>, transpose_lhs_hint = false} : vector<3456x128xbf16>, vector<3456x4096xbf16>, vector<128x4096xf32> -> vector<128x4096xf32>
    %transpose3A_90 = tpu.transpose %dot_general3A_89, [1, 0] : vector<128x4096xf32> -> vector<4096x128xf32>
    %get3A_91 = arith.constant 0 : index
    %get3A_92 = arith.constant 0 : index
    %get3A_93 = vector.load %arg4[%get3A_91, %get3A_92] : memref<1x128xf32, #tpu.memory_space<vmem>>, vector<1x128xf32>
    %add3A = vector.broadcast %get3A_93 : vector<1x128xf32> to vector<4096x128xf32>
    %add3A_94 = arith.addf %transpose3A_90, %add3A : vector<4096x128xf32>
    %max3A = arith.constant 0.000000e+00 : f32
    %max3A_95 = vector.broadcast %max3A : f32 to vector<4096x128xf32>
    %max3A_96 = arith.maximumf %add3A_94, %max3A_95 : vector<4096x128xf32>
    %swap3A = arith.constant 0 : index
    %swap3A_97 = arith.constant 0 : index
    %swap3A_98 = vector.load %arg5[%swap3A, %swap3A_97] : memref<4096x128xf32, #tpu.memory_space<vmem>>, vector<4096x128xf32>
    tpu.vector_store %arg5[%swap3A, %swap3A_97], %max3A_96 {strides = array<i32>} : memref<4096x128xf32, #tpu.memory_space<vmem>>, vector<4096x128xf32>,
    return
  }
  func.func @transform_0(%arg0: i32) -> (i32, i32) {
    %c0_i32 = arith.constant 0 : i32
    %c0_i32_0 = arith.constant 0 : i32
    return %arg0, %c0_i32 : i32, i32
  }
  func.func @transform_1(%arg0: i32) -> (i32, i32) {
    %c0_i32 = arith.constant 0 : i32
    %c0_i32_0 = arith.constant 0 : i32
    return %c0_i32, %arg0 : i32, i32
  }
  func.func @transform_2(%arg0: i32) -> (i32, i32) {
    %c0_i32 = arith.constant 0 : i32
    %c0_i32_0 = arith.constant 0 : i32
    %c0_i32_1 = arith.constant 0 : i32
    return %c0_i32, %c0_i32_0 : i32, i32
  }
  func.func @transform_3(%arg0: i32) -> (i32, i32) {
    %c0_i32 = arith.constant 0 : i32
    %c0_i32_0 = arith.constant 0 : i32
    %c0_i32_1 = arith.constant 0 : i32
    return %c0_i32, %c0_i32_0 : i32, i32
  }
  func.func @transform_4(%arg0: i32) -> (i32, i32) {
    %c0_i32 = arith.constant 0 : i32
    %c0_i32_0 = arith.constant 0 : i32
    return %arg0, %c0_i32 : i32, i32
  }
}

</mosaic_0001>

<sc_bundles>
// kernel: kernel.5.cloned.1.call-start
scs
__scs_entry_jumppad:
0x0: {  	(pc) =	sbr.rel $0x88, $3  }
0x1: {  	(tag) =	ssettag $0x0;
	lr =	simm.s32 $0x1  }
0x2: {  	[smem:$0x3F9D] =	sst lr;
	_ =	strace $0xD0000000  }
0x3: {  	_ = 	snop  }
0x4: {  	_ = 	snop  }
0x5: {  	_ = 	snop  }
0x6: {  	_ = 	snop  }
0x7: {  	_ = 	snop  }
__scs_overlays_trampoline_lowered:
0x8: {  	[smem:$0x3FAC] =	sst s0  }
0x9: {  	[smem:$0x3FAD] =	sst s1  }
0xa: {  	[smem:$0x3FAE] =	sst s2  }
0xb: {  	[smem:$0x3FAF] =	sst s3  }
0xc: {  	[smem:$0x3FB0] =	sst s4  }
0xd: {  	[smem:$0x3FB1] =	sst s5  }
0xe: {  	[smem:$0x3FB2] =	sst s6  }
0xf: {  	[smem:$0x3FB3] =	sst s7  }
0x10: {  	[smem:$0x3FB4] =	sst s8  }
0x11: {  	[smem:$0x3FB5] =	sst s9;
	s0 =	simm.s32 @!p0 $0x0  }
0x12: {  	s1 =	sld [smem:$0x3F9B];
	s0 =	simm.s32 @p0 $0x1  }
0x13: {  	[smem:$0x3FB6] =	sst s0;
	s0 =	simm.s32 @!p1 $0x0  }
0x14: {  	s2 =	sld [smem:$0x3F9A];
	s0 =	simm.s32 @p1 $0x1  }
0x15: {  	[smem:$0x3FB7] =	sst s0;
	s0 =	simm.s32 @!p2 $0x0  }
0x16: {  	s3 =	sld [smem:$0x3FDB];
	s0 =	simm.s32 @p2 $0x1  }
0x17: {  	s4 =	simm.s32 $0x1BF5;
	[smem:$0x3FB9] =	sst s0  }
0x18: {  	s0 =	sld [smem:$0x3F9C];
	_ =	swait.ge [sflag:s4], $0x0  }
0x19: {  	s7 =	sld [smem:$0x3F9D]  }
0x1a: {  	s8 =	sadd.s32 $0xFFFFE003, lr  }
0x1b: {  	s9 =	sadd.s32 $0xFFFFFEF7, lr;
	s5 =	simm.s32 $0xFFFFFFFF;
	p2 =	slt.u32 s8, $0xFFFFF086  }
0x1c: {  	p1 =	slt.u32 s9, $0xF7A;
	s5 =	simm.s32 @!p2 $0x0  }
0x1d: {  	s5 =	simm.s32 @p1 $0x1;
	p0 =	seq.s32 s7, s2  }
0x1e: {  	s7 =	smul.u32 @!p0 $0xF7A, s2;
	p2 =	seq.s32 @!p0 s5, $0x0  }
0x1f: {  	s9 =	smul.u32 $0xF7A, s1;
	s8 =	simm.s32 @!p0 $0x1BF5;
	p2 =	por !p2, p0  }
0x20: {  	[sflag:s8] =	ssyncset.s32 @!p0 $0xFFFFF086;
	s6 =	sadd.s32 @!p0 s3, s7;
	s7 =	simm.s32 @!p0 $0x108  }
0x21: {  	s3 =	sadd.s32 s3, s9;
	s6 =	sadd.s32 @!p0 $0x88, s6;
	s7 =	simm.s32 @p2 $0x1082  }
0x22: {  	[simem:s7], [sflag:s8] =	dma.local @!p0 [hbm:s6], $0xF7A  }
0x23: {  	s9 =	sor.u32 $0xD0000000, s2;
	s6 =	simm.s32 $0x108;
	_ =	swait.ge @!p0 [sflag:s8], $0x0  }
0x24: {  	s3 =	sadd.s32 $0x88, s3;
	s6 =	simm.s32 @!p1 $0x1082;
	[sflag:s4] =	ssyncset.s32 $0xFFFFF086  }
0x25: {  	[simem:s6], [sflag:s4] =	dma.local [hbm:s3], $0xF7A  }
0x26: {  	[smem:$0x3F9D] =	sst s1;
	(tag) =	ssettag s2;
	_ =	strace s9  }
0x27: {  	s1 =	sld [smem:$0x3FAD]  }
0x28: {  	s2 =	sld [smem:$0x3FAE]  }
0x29: {  	s4 =	sld [smem:$0x3FB0]  }
0x2a: {  	p0 =	seq.s32 s5, $0x0;
	s5 =	sld [smem:$0x3FB1]  }
0x2b: {  	s6 =	sld [smem:$0x3FB2]  }
0x2c: {  	s7 =	sld [smem:$0x3FB3]  }
0x2d: {  	s3 =	simm.s32 $0x108;
	s8 =	sld [smem:$0x3FB4]  }
0x2e: {  	s3 =	simm.s32 @!p0 $0x1082;
	s9 =	sld [smem:$0x3FB5]  }
0x2f: {  	lr =	sadd.s32 s0, s3;
	s0 =	sld [smem:$0x3FAC]  }
0x30: {  	s3 =	sld [smem:$0x3FAF]  }
0x31: {  	[smem:$0x3FB8] =	sst s10  }
0x32: {  	s10 =	sld [smem:$0x3FB6];
	_ =	sdelay $0x3  }
0x33: {  	p0 =	seq.s32 s10, $0x1;
	s10 =	sld [smem:$0x3FB8];
	_ =	sdelay $0x3  }
0x34: {  	[smem:$0x3FB8] =	sst s10  }
0x35: {  	s10 =	sld [smem:$0x3FB7];
	_ =	sdelay $0x3  }
0x36: {  	p1 =	seq.s32 s10, $0x1;
	s10 =	sld [smem:$0x3FB8];
	_ =	sdelay $0x3  }
0x37: {  	[smem:$0x3FB8] =	sst s10  }
0x38: {  	s10 =	sld [smem:$0x3FB9]  }
0x39: {  	_ = 	snop;
	(pc) =	sbr.ind lr, $3  }
0x3a: {  	_ = 	snop  }
0x3b: {  	_ = 	snop  }
0x3c: {  	p2 =	seq.s32 s10, $0x1;
	s10 =	sld [smem:$0x3FB8]  }
0x3d: {  	_ =	shalt  }
0x3e: {  	_ =	shalt  }
0x3f: {  	_ =	shalt  }
0x40: {  	_ =	shalt  }
0x41: {  	_ =	shalt  }
0x42: {  	_ =	shalt  }
0x43: {  	_ =	shalt  }
0x44: {  	_ =	shalt  }
0x45: {  	_ =	shalt  }
0x46: {  	_ =	shalt  }
0x47: {  	_ =	shalt  }
0x48: {  	_ =	shalt  }
0x49: {  	_ =	shalt  }
0x4a: {  	_ =	shalt  }
0x4b: {  	_ =	shalt  }
0x4c: {  	_ =	shalt  }
0x4d: {  	_ =	shalt  }
0x4e: {  	_ =	shalt  }
0x4f: {  	_ =	shalt  }
0x50: {  	_ =	shalt  }
0x51: {  	_ =	shalt  }
0x52: {  	_ =	shalt  }
0x53: {  	_ =	shalt  }
0x54: {  	_ =	shalt  }
0x55: {  	_ =	shalt  }
0x56: {  	_ =	shalt  }
0x57: {  	_ =	shalt  }
0x58: {  	_ =	shalt  }
0x59: {  	_ =	shalt  }
0x5a: {  	_ =	shalt  }
0x5b: {  	_ =	shalt  }
0x5c: {  	_ =	shalt  }
0x5d: {  	_ =	shalt  }
0x5e: {  	_ =	shalt  }
0x5f: {  	_ =	shalt  }
0x60: {  	_ =	shalt  }
0x61: {  	_ =	shalt  }
0x62: {  	_ =	shalt  }
0x63: {  	_ =	shalt  }
0x64: {  	_ =	shalt  }
0x65: {  	_ =	shalt  }
0x66: {  	_ =	shalt  }
0x67: {  	_ =	shalt  }
0x68: {  	_ =	shalt  }
0x69: {  	_ =	shalt  }
0x6a: {  	_ =	shalt  }
0x6b: {  	_ =	shalt  }
0x6c: {  	_ =	shalt  }
0x6d: {  	_ =	shalt  }
0x6e: {  	_ =	shalt  }
0x6f: {  	_ =	shalt  }
0x70: {  	_ =	shalt  }
0x71: {  	_ =	shalt  }
0x72: {  	_ =	shalt  }
0x73: {  	_ =	shalt  }
0x74: {  	_ =	shalt  }
0x75: {  	_ =	shalt  }
0x76: {  	_ =	shalt  }
0x77: {  	_ =	shalt  }
0x78: {  	_ =	shalt  }
0x79: {  	_ =	shalt  }
0x7a: {  	_ =	shalt  }
0x7b: {  	_ =	shalt  }
0x7c: {  	_ =	shalt  }
0x7d: {  	_ =	shalt  }
0x7e: {  	_ =	shalt  }
0x7f: {  	_ =	shalt  }
0x80: {  	_ =	shalt  }
0x81: {  	_ =	shalt  }
0x82: {  	_ =	shalt  }
0x83: {  	_ =	shalt  }
0x84: {  	_ =	shalt  }
0x85: {  	_ =	shalt  }
0x86: {  	_ =	shalt  }
0x87: {  	_ =	shalt  }
.Lfunc_end0:
.L_simem_size_0:
called_computation_lowered:
.L_overlay_start_0:
0x88: {  	s2 =	sld [smem:$0x3FD9]  }
0x89: {  	s3 =	sld [smem:$0x3FFE];
	_ =	sdelay $0x1  }
0x8a: {  	s1 =	srdreg.scid  }
0x8b: {  	s0 =	sand.u32 $0x1, s1  }
0x8c: {  	s17 =	sshll.u32 s0, $0xA;
	s2 =	sadd.s32 s3, s2  }
0x8d: {  	s2 =	sadd.s32 s2, s17  }
0x8e: {  	[smem:$0x3FC4] =	sst s2  }
0x8f: {  	_ = 	snop  }
0x90: {  	s2 =	sld [smem:$0x3FD0];
	(tm) =	ssettm $0x1  }
0x91: {  	s18 =	sld [smem:$0x3FFB];
	_ =	sdelay $0x3  }
0x92: {  	_ =	strace s18  }
0x93: {  	s3 =	sld [smem:$0x3FFC];
	_ =	sdelay $0x3  }
0x94: {  	_ =	strace s3  }
0x95: {  	s3 =	sld [smem:$0x3FFD];
	_ =	sdelay $0x3  }
0x96: {  	_ =	strace s3  }
0x97: {  	_ =	strace $0x8FFFFFFF  }
0x98: {  	s19 =	sld [smem:$0x3FDB];
	_ =	sdelay $0x1  }
0x99: {  	s4 =	simm.s32 $_scs_section_size  }
0x9a: {  	s5 =	simm.s32 $_size__tile_overlayer_lowered;
	s6 =	simm.s32 $_tile_overlayer_lowered  }
0x9b: {  	s22 =	simm.s32 $0x1BFF;
	s21 =	sshll.u32 s6, $0x1;
	s3 =	sadd.s32 s4, s19  }
0x9c: {  	s7 =	simm.s32 $0x0;
	s20 =	sshll.u32 s5, $0x1;
	s5 =	sadd.s32 s21, s3  }
0x9d: {  	[timem:s7], [sflag:s22] =	dma.local [hbm:s5], s20  }
0x9e: {  	_ =	swait.ge [sflag:s22], s20  }
0x9f: {  	s4 =	ssub.s32 $0x0, s20;
	[sflag:s22] =	ssyncset.done $0x0  }
0xa0: {  	[sflag:s22] =	ssyncadd.s32 s4;
	_ =	sdelay $0x1  }
0xa1: {  	s23 =	simm.s32 $0x1B8B  }
0xa2: {  	_ =	swait.ge [sflag:s23], $0x1  }
0xa3: {  	[sflag:s23] =	ssyncset.done $0x0  }
0xa4: {  	s25 =	simm.s32 $0x1B8E;
	s24 =	sld [smem:$0x3FFE];
	[sflag:s23] =	ssyncadd.s32 $0xFFFFFFFF  }
0xa5: {  	s26 =	simm.s32 $execute0_lowered;
	[smem:$0x3FD2] =	sst s25  }
0xa6: {  	s5 =	sshll.u32 s26, $0x1;
	_ =	strace $0x80000046;
	[dreg:$0x1] =	wrdreg $0xFFFFFFFF  }
0xa7: {  	s28 =	simm.s32 $_size_execute0_lowered;
	s3 =	sadd.s32 s3, s5;
	[dreg:$0x0] =	wrdreg $0x0  }
0xa8: {  	s5 =	sshll.u32 s28, $0x1;
	[dreg:$0x2] =	wrdreg s3  }
0xa9: {  	[dreg:$0x3] =	wrdreg s5  }
0xaa: {  	[dreg:$0x4] =	wrdreg $0xC0  }
0xab: {  	_ =	task [dreg:s7], $0x5FFFF  }
0xac: {  	[dreg:$0x1] =	wrdreg $0xFFFFFFFF  }
0xad: {  	[dreg:$0x0] =	wrdreg $0x60  }
0xae: {  	[dreg:$0x2] =	wrdreg s24  }
0xaf: {  	[dreg:$0x3] =	wrdreg s2  }
0xb0: {  	[dreg:$0x4] =	wrdreg $0x9  }
0xb1: {  	_ =	task.clear_ibuf [dreg:s7], $0x5FFFF;
	_ =	strace $0x90000046  }
0xb2: {  	s29 =	simm.s32 $0x9;
	_ =	strace $0x80000048  }
0xb3: {  	_ =	swait.ge [sflag:s29], $0x1  }
0xb4: {  	[sflag:s29] =	ssyncadd.s32 $0xFFFFFFFF  }
0xb5: {  	_ =	strace $0x90000048  }
0xb6: {  	_ =	sfence  }
0xb7: {  	s30 =	sld [smem:$0x0];
	_ =	sdelay $0x2  }
0xb8: {  	s31 =	sshll.u32 s1, $0xD;
	s1 =	sshrl.u32 s1, $0x2  }
0xb9: {  	s3 =	sand.u32 $0x4000, s31;
	s1 =	sadd.s32 s1, s30  }
0xba: {  	s0 =	sor.u32 s3, s0;
	s1 =	sshll.u32 s1, $0x11  }
0xbb: {  	s0 =	sor.u32 s1, s0  }
0xbc: {  	s0 =	sadd.s32 $0x8F2B, s0  }
0xbd: {  	[sflag:s0] =	ssyncadd.remote.s32 $0x1  }
0xbe: {  	_ =	sfence.sel $0xFFFF  }
0xbf: {  	[dreg:$0x0] =	wrdreg $0xFFFFFFFF;
	(pc) =	sbr.abs _section_cstart, $3  }
0xc0: {  	[dreg:$0x1] =	wrdreg $0xFFFFFFFF  }
0xc1: {  	_ =	task.clear_ibuf [dreg:s7], $0x2FFFF;
	_ =	strace $0x9FFFFFFF  }
0xc2: {  	(tm) =	ssettm $0x7FFFFFFF  }
0xc3: {  	_ =	shalt  }
tec
execute0_lowered:
.L_overlay_start_1:
0x0: {  	(tag) =	ssettag $0x1  }
0x1: {  	s1 =	srdreg.scid;
	s0 =	stileid.u32  }
0x2: {  	s5 =	sand.u32 $0x1, s1;
	s6 =	sshll.u32 s0, $0x1  }
0x3: {  	s6 =	sor.u32 s5, s6  }
0x4: {  	p0 =	sgt.u32 s6, $0x1A  }
.Ltmp0:
0x5: {  	_ = 	snop;
	(pc) =	sbr.rel @p0 .LBB2_7-.Ltmp0, $4  }
0x6: {  	s4 =	rddreg [dreg:$0x0]  }
0x7: {  	s3 =	rddreg [dreg:$0x1];
	s2 =	simm.s32 $0x0  }
0x8: {  	[smem:$0x7FF] =	sst s2  }
0x9: {  	s1 =	rddreg [dreg:$0x2];
	_ =	strace $0x80000047  }
0xa: {  	s7 =	sshrl.u32 s0, $0x2;
	s6 =	sshll.u32 s6, $0x7;
	s4 =	sadd.s32 $0xA00, s4  }
0xb: {  	s5 =	ssub.s32 $0x2, s5;
	s9 =	simm.s32 $0x4E80;
	s8 =	smul.u32 $0x61C00, s7  }
0xc: {  	s7 =	smul.u32 $0x27400, s7;
	s6 =	sand.u32 $0x380, s6;
	s31 =	sshrl.u32 s5, $0x1  }
0xd: {  	s10 =	simm.s32 $0x2;
	s5 =	ssub.s32 s5, s31;
	s8 =	sor.u32 s8, s6  }
0xe: {  	s6 =	sor.u32 s7, s6;
	s5 =	smax.u32 s5, $0x1;
	s7 =	simm.s32 $0x400  }
0xf: {  	s30 =	sshrl.u32 s8, $0x3;
	s6 =	sshrl.u32 s6, $0x3;
	s8 =	simm.s32 $0x1  }
0x10: {  	v0 =	vimm.f32 $0.0e+00;
	v1 =	vimm.f32 $1.000000000e+00;
	s3 =	sadd.s32 s3, s30;
	s4 =	sadd.s32 s4, s6;
	s6 =	simm.s32 $0x80  }
.LBB2_2:
0x11: {  	s11 =	simm.s32 $0x0  }
0x12: {  	[tilespmem:s11], [sflag:$0x1] =	stream.strided.gather [hbm4b:s4+s6], $0x4E80, s7, s6, $0x38;
	[tilespmem:$0x11200] =	vst v63  }
0x13: {  	s12 =	simm.s32 $0x140;
	s11 =	simm.s32 $0x0  }
.LBB2_3:
0x14: {  	p0 =	sne.s32 s12, $0x30C00;
	[tilespmem:s11+$0x4EC0] =	vst v0;
	s13 =	smov.u32 s12;
	s12 =	sadd.s32 $0x140, s12  }
.Ltmp1:
0x15: {  	[tilespmem:s11+$0x4EB0] =	vst v0;
	(pc) =	sbr.rel @p0 .LBB2_3-.Ltmp1, $4  }
0x16: {  	[tilespmem:s11+$0x4EA0] =	vst v0  }
0x17: {  	[tilespmem:s11+$0x4E80] =	vst v0  }
0x18: {  	[tilespmem:s11+$0x4E90] =	vst v0  }
0x19: {  	s11 =	sshra.s32 s13, $0x2  }
0x1a: {  	[tilespmem:s11+$0x4EC0] =	vst v0  }
0x1b: {  	[tilespmem:s11+$0x4EB0] =	vst v0  }
0x1c: {  	[tilespmem:s11+$0x4EA0] =	vst v0  }
0x1d: {  	[tilespmem:s11+$0x4E80] =	vst v0  }
0x1e: {  	[tilespmem:s11+$0x4E90] =	vst v0  }
0x1f: {  	_ =	swait.ge [sflag:s8], $0x4E80  }
0x20: {  	[sflag:s8] =	ssyncset.done $0x0  }
0x21: {  	s11 =	simm.s32 $0x0;
	s12 =	simm.s32 $0x50;
	[sflag:s8] =	ssyncadd.s32 $0xFFFFB180  }
.LBB2_5:
0x22: {  	v2 =	vld [tilespmem:s12+$0xFFFFFFB0];
	_ =	sdelay $0x7  }
0x23: {  	[tilespmem:v2+s9+$0x0] =	vst.idx.add.f32.msk $0xffff, v1  }
0x24: {  	v2 =	vld [tilespmem:s12+$0xFFFFFFC0];
	_ =	sdelay $0x7  }
0x25: {  	[tilespmem:v2+s9+$0x0] =	vst.idx.add.f32.msk $0xffff, v1  }
0x26: {  	v2 =	vld [tilespmem:s12+$0xFFFFFFD0];
	_ =	sdelay $0x7  }
0x27: {  	[tilespmem:v2+s9+$0x0] =	vst.idx.add.f32.msk $0xffff, v1  }
0x28: {  	v2 =	vld [tilespmem:s12+$0xFFFFFFE0];
	_ =	sdelay $0x7  }
0x29: {  	[tilespmem:v2+s9+$0x0] =	vst.idx.add.f32.msk $0xffff, v1  }
0x2a: {  	v2 =	vld [tilespmem:s12+$0xFFFFFFF0];
	_ =	sdelay $0x7  }
0x2b: {  	[tilespmem:v2+s9+$0x0] =	vst.idx.add.f32.msk $0xffff, v1  }
0x2c: {  	v2 =	vld [tilespmem:s12+$0x0];
	_ =	sdelay $0x7  }
0x2d: {  	[tilespmem:v2+s9+$0x0] =	vst.idx.add.f32.msk $0xffff, v1  }
0x2e: {  	v2 =	vld [tilespmem:s12+$0x10];
	_ =	sdelay $0x7  }
0x2f: {  	[tilespmem:v2+s9+$0x0] =	vst.idx.add.f32.msk $0xffff, v1  }
0x30: {  	v2 =	vld [tilespmem:s12+$0x20];
	_ =	sdelay $0x7  }
0x31: {  	s13 =	sand.u32 $0x7FE0, s11;
	[tilespmem:v2+s9+$0x0] =	vst.idx.add.f32.msk $0xffff, v1  }
0x32: {  	v2 =	vld [tilespmem:s13+$0x80];
	_ =	sdelay $0x7  }
0x33: {  	[tilespmem:v2+s9+$0x0] =	vst.idx.add.f32.msk $0xffff, v1  }
0x34: {  	v2 =	vld [tilespmem:s12+$0x40];
	_ =	sdelay $0x2  }
0x35: {  	p0 =	sne.s32 s11, $0x4D80  }
.Ltmp2:
0x36: {  	_ = 	snop;
	(pc) =	sbr.rel @p0 .LBB2_5-.Ltmp2, $2  }
0x37: {  	_ =	sdelay $0x2  }
0x38: {  	s11 =	sadd.s32 $0xA0, s11;
	s12 =	sadd.s32 $0xA0, s12;
	[tilespmem:v2+s9+$0x0] =	vst.idx.add.f32.msk $0xffff, v1  }
0x39: {  	s2 =	sadd.s32 $0x1, s2  }
0x3a: {  	p0 =	sne.s32 s2, s5  }
.Ltmp3:
0x3b: {  	_ = 	snop;
	(pc) =	sbr.rel @p0 .LBB2_2-.Ltmp3, $4  }
0x3c: {  	[hbm4b:s3+s6] =	stream.strided.scatter [tilespmem:s9], [sflag:$0x2], $0xC380, s7, s6, $0x38;
	[tilespmem:$0x11200] =	vst v63  }
0x3d: {  	_ =	swait.ge [sflag:s10], $0xC380  }
0x3e: {  	[sflag:s10] =	ssyncset.done $0x0  }
0x3f: {  	[sflag:s10] =	ssyncadd.s32 $0xFFFF3C80  }
.LBB2_7:
0x40: {  	_ =	sfence.sel $0x180000  }
0x41: {  	[bflag:$0x0] =	sbarrier.arrive $0xFFFF  }
0x42: {  	p0 =	sne.s32 s0, $0x0;
	_ =	strace $0x90000047  }
0x43: {  	s0 =	sadd.s32 @!p0 $0x100000, s1;
	[bflag:$0x2] =	sbarrier.arrive $0xFFFF  }
0x44: {  	[sflag:s0] =	ssyncadd.tile.s32 @!p0 $0x1;
	_ =	shalt  }
.Lfunc_end2:
_tile_overlayer_lowered:
.L_overlay_start_2:
0x45: {  	(tag) =	ssettag $0x2  }
0x46: {  	s0 =	rddreg [dreg:$0x0];
	s2 =	stileid.u32  }
0x47: {  	s1 =	rddreg [dreg:$0x1];
	p0 =	sne.s32 s2, $0x0  }
0x48: {  	s3 =	rddreg [dreg:$0x2];
	[bflag:$0x3] =	sbarrier.arrive $0xFFFF;
	s2 =	simm.s32 @!p0 $0x1C02  }
0x49: {  	[timem:s3], [sflag:s2] =	dma.local @!p0 [hbm:s0], s1  }
0x4a: {  	s0 =	simm.s32 @!p0 $0x2  }
0x4b: {  	_ =	swait.ge @!p0 [sflag:s0], s1  }
0x4c: {  	s1 =	ssub.s32 @!p0 $0x0, s1;
	[sflag:s0] =	ssyncset.done @!p0 $0x0  }
0x4d: {  	[sflag:s0] =	ssyncadd.s32 @!p0 s1  }
0x4e: {  	[bflag:$0x3] =	sbarrier.arrive $0xFFFF  }
0x4f: {  	_ =	shalt  }

</sc_bundles>
